<compile_context>
chip_gen: v7x
topology: tpu7x:2x2x1
jax: 0.10.2.dev20260603
libtpu: 0.0.44.dev20260713+nightly
codegen_flags: <defaults>
</compile_context>

<pallas_src>
import jax
import jax.numpy as jnp
from jax import lax
from jax.experimental import pallas as pl
from jax.experimental.pallas import tpu as pltpu
from jax.experimental.pallas import tpu_sc as plsc

N = 10000
NP = 10240
E = 320000
D = 128
G = 16
NC = 2
NS = 16
NW = NC * NS
CHUNK = 128
NCH = 79
EPT = NCH * CHUNK
EPAD = NW * EPT
RPT = NP // NS

_MESH = plsc.VectorSubcoreMesh(core_axis_name="c", subcore_axis_name="s")


def _segsum_body(h_hbm, src_hbm, dst_hbm, zeros_hbm, out_hbm,
                 srcv, dstv, rows, accum, sem):
    c = lax.axis_index("c")
    s = lax.axis_index("s")
    wid = c * NS + s
    pltpu.sync_copy(src_hbm.at[wid], srcv)
    pltpu.sync_copy(dst_hbm.at[wid], dstv)
    base = s * RPT
    pltpu.sync_copy(zeros_hbm.at[pl.ds(base, RPT)], accum.at[pl.ds(base, RPT)])
    plsc.subcore_barrier()

    def chunk(j, carry):
        pltpu.async_copy(h_hbm.at[srcv.at[j]], rows, sem).wait()
        pltpu.sync_copy(rows, accum.at[dstv.at[j]], add=True)
        return carry

    lax.fori_loop(0, NCH, chunk, 0)
    plsc.subcore_barrier()
    pltpu.sync_copy(accum.at[pl.ds(base, RPT)], out_hbm.at[c, pl.ds(base, RPT)])


@jax.jit
def _segsum(h, src3, dst3, zeros_big):
    return pl.kernel(
        _segsum_body,
        out_type=jax.ShapeDtypeStruct((NC, NP, D), jnp.float32),
        mesh=_MESH,
        scratch_types=[
            pltpu.VMEM((NCH, CHUNK), jnp.int32),
            pltpu.VMEM((NCH, CHUNK), jnp.int32),
            pltpu.VMEM((CHUNK, D), jnp.float32),
            pltpu.VMEM_SHARED((NP, D), jnp.float32),
            pltpu.SemaphoreType.DMA,
        ],
    )(h, src3, dst3, zeros_big)


def _cnt_body(dst_hbm, zeros1_hbm, out_hbm, dstv, cnt):
    c = lax.axis_index("c")
    s = lax.axis_index("s")
    wid = c * NS + s
    pltpu.sync_copy(dst_hbm.at[wid], dstv)
    pltpu.sync_copy(zeros1_hbm, cnt)
    ones = jnp.ones((16,), jnp.float32)

    def grp(j, carry):
        d = dstv[pl.ds(j * 16, 16)]
        plsc.addupdate_scatter(cnt, [d], ones)
        return carry

    lax.fori_loop(0, EPT // 16, grp, 0)
    pltpu.sync_copy(cnt, out_hbm.at[wid])


@jax.jit
def _cnt(dst2, zeros1):
    return pl.kernel(
        _cnt_body,
        out_type=jax.ShapeDtypeStruct((NW, NP), jnp.float32),
        mesh=_MESH,
        scratch_types=[
            pltpu.VMEM((EPT,), jnp.int32),
            pltpu.VMEM((NP,), jnp.float32),
        ],
        compiler_params=pltpu.CompilerParams(needs_layout_passes=False),
    )(dst2, zeros1)


_BN = 512


def _rcp_body(cnt_ref, rcp_ref):
    c = jnp.sum(cnt_ref[...], axis=0)
    rcp_ref[...] = 1.0 / jnp.maximum(c, 1.0)


@jax.jit
def _rcp(cntp):
    return pl.pallas_call(
        _rcp_body,
        out_shape=jax.ShapeDtypeStruct((NP, 1), jnp.float32),
        grid=(NP // _BN,),
        in_specs=[pl.BlockSpec((NW, _BN, 1), lambda i: (0, i, 0))],
        out_specs=pl.BlockSpec((_BN, 1), lambda i: (i, 0)),
    )(cntp)


def _layer_body(sp_ref, rcp_ref, h_ref, wl_ref, bl_ref, wr_ref, out_ref):
    agg = (sp_ref[0] + sp_ref[1]) * rcp_ref[...]
    dn = (((1,), (1,)), ((), ()))
    y = lax.dot_general(agg, wl_ref[...], dn, preferred_element_type=jnp.float32)
    y = y + bl_ref[...] + lax.dot_general(
        h_ref[...], wr_ref[...], dn, preferred_element_type=jnp.float32)
    out_ref[...] = jnp.maximum(y, 0.0)


@jax.jit
def _layer(sp, rcp, h, Wl, bl, Wr):
    return pl.pallas_call(
        _layer_body,
        out_shape=jax.ShapeDtypeStruct((NP, D), jnp.float32),
        grid=(NP // _BN,),
        in_specs=[
            pl.BlockSpec((NC, _BN, D), lambda i: (0, i, 0)),
            pl.BlockSpec((_BN, 1), lambda i: (i, 0)),
            pl.BlockSpec((_BN, D), lambda i: (i, 0)),
            pl.BlockSpec((D, D), lambda i: (0, 0)),
            pl.BlockSpec((1, D), lambda i: (0, 0)),
            pl.BlockSpec((D, D), lambda i: (0, 0)),
        ],
        out_specs=pl.BlockSpec((_BN, D), lambda i: (i, 0)),
    )(sp, rcp, h, Wl, bl, Wr)


def _pool_body(h_ref, b_ref, wc_ref, bc_ref, out_ref, acc, gacc):
    i = pl.program_id(0)

    @pl.when(i == 0)
    def _():
        acc[...] = jnp.zeros_like(acc)
        gacc[...] = jnp.zeros_like(gacc)

    onehot = (b_ref[...] == lax.broadcasted_iota(jnp.int32, (_BN, G), 1)
              ).astype(jnp.float32)
    dn0 = (((0,), (0,)), ((), ()))
    acc[...] += lax.dot_general(onehot, h_ref[...], dn0,
                                preferred_element_type=jnp.float32)
    gacc[...] += lax.dot_general(onehot, jnp.ones((_BN, 1), jnp.float32), dn0,
                                 preferred_element_type=jnp.float32)

    @pl.when(i == NP // _BN - 1)
    def _():
        pooled = acc[...] * (1.0 / jnp.maximum(gacc[...], 1.0))
        z = jnp.sum(pooled * wc_ref[...], axis=1, keepdims=True) + bc_ref[0, 0]
        out_ref[...] = 1.0 / (1.0 + jnp.exp(-z))


@jax.jit
def _pool(h, batch_p, Wc, bc):
    return pl.pallas_call(
        _pool_body,
        out_shape=jax.ShapeDtypeStruct((G, 1), jnp.float32),
        grid=(NP // _BN,),
        in_specs=[
            pl.BlockSpec((_BN, D), lambda i: (i, 0)),
            pl.BlockSpec((_BN, 1), lambda i: (i, 0)),
            pl.BlockSpec((1, D), lambda i: (0, 0)),
            pl.BlockSpec((1, 1), lambda i: (0, 0)),
        ],
        out_specs=pl.BlockSpec((G, 1), lambda i: (0, 0)),
        scratch_shapes=[
            pltpu.VMEM((G, D), jnp.float32),
            pltpu.VMEM((G, 1), jnp.float32),
        ],
    )(h, batch_p, Wc, bc)


def kernel(x, edge_index, edge_weight, batch,
           W1l, b1l, W1r, W2l, b2l, W2r, W3l, b3l, W3r, W4l, b4l, W4r, Wc, bc):
    src, dst = edge_index[0], edge_index[1]
    pad = EPAD - E
    src_p = jnp.concatenate([src, jnp.zeros((pad,), jnp.int32)])
    dst_p = jnp.concatenate([dst, jnp.full((pad,), N, jnp.int32)])
    src3 = src_p.reshape(NW, NCH, CHUNK)
    dst3 = dst_p.reshape(NW, NCH, CHUNK)
    dst2 = dst_p.reshape(NW, EPT)
    xp = jnp.concatenate([x, jnp.zeros((NP - N, D), jnp.float32)])
    batch_p = jnp.concatenate(
        [batch, jnp.full((NP - N,), G, jnp.int32)]).reshape(NP, 1)
    zeros_big = jnp.zeros((NP, D), jnp.float32)
    zeros1 = jnp.zeros((NP,), jnp.float32)

    rcp = _rcp(_cnt(dst2, zeros1).reshape(NW, NP, 1))

    h = xp
    for (Wl, bl, Wr) in ((W1l, b1l, W1r), (W2l, b2l, W2r),
                         (W3l, b3l, W3r), (W4l, b4l, W4r)):
        sp = _segsum(h, src3, dst3, zeros_big)
        h = _layer(sp, rcp, h, Wl, bl.reshape(1, D), Wr)

    return _pool(h, batch_p, Wc, bc.reshape(1, 1))

# --- scband reference (transcript-rebuilt; emitter-appended) ---
"""Pipeline reference for scband-graph-sagesummarizer-31456340476253 (READ-ONLY COPY).

The authoritative reference and input builder live on the scoring server;
editing this copy changes nothing except your own understanding.
"""

import jax, jax.numpy as jnp
import numpy as np

N = 10000
E = 320000
D = 128
H = 128
G = 16


def _param(key, shape, scale):
    return jax.random.normal(key, shape, jnp.float32) * scale


def setup_inputs(seed: int = 0) -> dict:
    key = jax.random.key(seed)
    ks = jax.random.split(key, 20)
    x = jax.random.normal(ks[0], (N, D), jnp.float32)
    edge_index = jax.random.randint(ks[1], (2, E), 0, N, dtype=jnp.int32)
    edge_weight = jax.random.uniform(ks[2], (E,), jnp.float32)
    batch = jnp.sort(jax.random.randint(ks[3], (N,), 0, G, dtype=jnp.int32))
    inp = {"x": x, "edge_index": edge_index, "edge_weight": edge_weight, "batch": batch}
    dims = [(D, H), (H, H), (H, H), (H, H)]
    for i, (din, dout) in enumerate(dims, start=1):
        s = 1.0 / np.sqrt(din)
        inp[f"W{i}l"] = _param(ks[3 + 3 * i], (dout, din), s)
        inp[f"b{i}l"] = jnp.zeros((dout,), jnp.float32)
        inp[f"W{i}r"] = _param(ks[4 + 3 * i], (dout, din), s)
    inp["Wc"] = _param(ks[18], (1, H), 1.0 / np.sqrt(H))
    inp["bc"] = jnp.zeros((1,), jnp.float32)
    return inp


def _sage_conv(x, src, dst, Wl, bl, Wr):
    # PyG SAGEConv: out = lin_l(mean_{j in N(i)} x_j) + lin_r(x_i)
    msgs = x[src]
    s = jax.ops.segment_sum(msgs, dst, num_segments=N)
    cnt = jax.ops.segment_sum(jnp.ones((src.shape[0], 1), x.dtype), dst, num_segments=N)
    agg = s / jnp.maximum(cnt, 1.0)
    return agg @ Wl.T + bl + x @ Wr.T


def reference(x, edge_index, edge_weight, batch, W1l, b1l, W1r, W2l, b2l, W2r, W3l, b3l, W3r, W4l, b4l, W4r, Wc, bc):
    src, dst = edge_index[0], edge_index[1]
    h = jax.nn.relu(_sage_conv(x, src, dst, W1l, b1l, W1r))
    h = jax.nn.relu(_sage_conv(h, src, dst, W2l, b2l, W2r))
    h = jax.nn.relu(_sage_conv(h, src, dst, W3l, b3l, W3r))
    h = jax.nn.relu(_sage_conv(h, src, dst, W4l, b4l, W4r))
    # global_mean_pool over graph ids
    gs = jax.ops.segment_sum(h, batch, num_segments=G)
    gc = jax.ops.segment_sum(jnp.ones((N, 1), h.dtype), batch, num_segments=G)
    pooled = gs / jnp.maximum(gc, 1.0)
    out = pooled @ Wc.T + bc
    return jax.nn.sigmoid(out)

if __name__ == "__main__":
    import jax
    _d = setup_inputs()
    print(jax.jit(kernel)(*tuple(_d.values())))

</pallas_src>

<mosaic_0001>
#map = affine_map<(d0, d1) -> (0, 0)>
#map1 = affine_map<(d0, d1) -> (0)>
module attributes {stable_mosaic.version = 14 : i64} {
  func.func @_cnt_body(%arg0: i32, %arg1: i32, %arg2: memref<32x10112xi32, #tpu.memory_space<hbm>>, %arg3: memref<10240xf32, #tpu.memory_space<hbm>>, %arg4: memref<32x10240xf32, #tpu.memory_space<hbm>>, %arg5: memref<10112xi32, #tpu.memory_space<vmem>>, %arg6: memref<10240xf32, #tpu.memory_space<vmem>>) attributes {dimension_semantics = [#tpu.dimension_semantics<core_parallel>, #tpu.dimension_semantics<subcore_parallel>], iteration_bounds = array<i64: 2, 16>, scalar_prefetch = 0 : i64, scratch_operands = 2 : i64, tpu.core_type = #tpu.core_type<sc_vector_subcore>, window_params = [{transform_indices = #map}, {transform_indices = #map1}, {transform_indices = #map}]} {
    %mul3A = arith.constant 16 : i32
    %mul3A_0 = arith.muli %arg0, %mul3A : i32
    %add3A = arith.addi %mul3A_0, %arg1 : i32
    "tpu.region"() ({
      %run_scoped3A = tpu.sem_alloc : memref<!tpu.dma_semaphore, #tpu.memory_space<semaphore_mem>>
      %dma_start3A = arith.constant 0 : i32
      %dma_start3A_7 = tpu.memref_slice %arg2[%add3A, %dma_start3A] : memref<32x10112xi32, #tpu.memory_space<hbm>> -> memref<1x10112xi32, #tpu.memory_space<hbm>>
      %dma_start3A_8 = tpu.memref_squeeze %dma_start3A_7 : memref<1x10112xi32, #tpu.memory_space<hbm>> -> memref<10112xi32, #tpu.memory_space<hbm>>
      %dma_start3A_9 = arith.constant 0 : i32
      %dma_start3A_10 = tpu.memref_slice %arg2[%add3A, %dma_start3A_9] : memref<32x10112xi32, #tpu.memory_space<hbm>> -> memref<1x10112xi32, #tpu.memory_space<hbm>>
      %dma_start3A_11 = tpu.memref_squeeze %dma_start3A_10 : memref<1x10112xi32, #tpu.memory_space<hbm>> -> memref<10112xi32, #tpu.memory_space<hbm>>
      tpu.enqueue_dma source(%dma_start3A_11 : memref<10112xi32, #tpu.memory_space<hbm>>) target(%arg5 : memref<10112xi32, #tpu.memory_space<vmem>>) target_semaphore(%run_scoped3A : memref<!tpu.dma_semaphore, #tpu.memory_space<semaphore_mem>>)
      %dma_wait3A = arith.constant 0 : i32
      %dma_wait3A_12 = tpu.memref_slice %arg2[%add3A, %dma_wait3A] : memref<32x10112xi32, #tpu.memory_space<hbm>> -> memref<1x10112xi32, #tpu.memory_space<hbm>>
      %dma_wait3A_13 = tpu.memref_squeeze %dma_wait3A_12 : memref<1x10112xi32, #tpu.memory_space<hbm>> -> memref<10112xi32, #tpu.memory_space<hbm>>
      %dma_wait3A_14 = arith.constant 0 : i32
      %dma_wait3A_15 = tpu.memref_slice %arg2[%add3A, %dma_wait3A_14] : memref<32x10112xi32, #tpu.memory_space<hbm>> -> memref<1x10112xi32, #tpu.memory_space<hbm>>
      %dma_wait3A_16 = tpu.memref_squeeze %dma_wait3A_15 : memref<1x10112xi32, #tpu.memory_space<hbm>> -> memref<10112xi32, #tpu.memory_space<hbm>>
      tpu.wait_dma2 semaphore(%run_scoped3A : memref<!tpu.dma_semaphore, #tpu.memory_space<semaphore_mem>>) src(%dma_wait3A_16 : memref<10112xi32, #tpu.memory_space<hbm>>) dst(%arg5 : memref<10112xi32, #tpu.memory_space<vmem>>)
      tpu.yield
    }) : () -> ()
    "tpu.region"() ({
      %run_scoped3A = tpu.sem_alloc : memref<!tpu.dma_semaphore, #tpu.memory_space<semaphore_mem>>
      tpu.enqueue_dma source(%arg3 : memref<10240xf32, #tpu.memory_space<hbm>>) target(%arg6 : memref<10240xf32, #tpu.memory_space<vmem>>) target_semaphore(%run_scoped3A : memref<!tpu.dma_semaphore, #tpu.memory_space<semaphore_mem>>)
      tpu.wait_dma2 semaphore(%run_scoped3A : memref<!tpu.dma_semaphore, #tpu.memory_space<semaphore_mem>>) src(%arg3 : memref<10240xf32, #tpu.memory_space<hbm>>) dst(%arg6 : memref<10240xf32, #tpu.memory_space<vmem>>)
      tpu.yield
    }) : () -> ()
    %broadcast_in_dim3A = arith.constant 1.000000e+00 : f32
    %broadcast_in_dim3A_1 = vector.broadcast %broadcast_in_dim3A : f32 to vector<16xf32>
    %scan3A = arith.constant 0 : i32
    %scan3A_2 = arith.constant 0 : i32
    %scan3A_3 = arith.constant 632 : i32
    %scan3A_4 = arith.addi %scan3A_2, %scan3A_3 : i32
    %scan3A_5 = arith.constant 1 : i32
    scf.for %scan3A_7 = %scan3A_2 to %scan3A_4 step %scan3A_5  : i32 {
      %mul3A_8 = arith.constant 16 : i32
      %mul3A_9 = arith.muli %scan3A_7, %mul3A_8 : i32
      %get3A = arith.index_cast %mul3A_9 : i32 to index
      %get3A_10 = tpu.vector_load %arg5[%get3A] {strides = array<i32>} : memref<10112xi32, #tpu.memory_space<vmem>>, vector<16xi32>,
      tpu.vector_store_idx %arg6[%get3A_10], %broadcast_in_dim3A_1 {add = true} : memref<10240xf32, #tpu.memory_space<vmem>>[vector<16xi32>], vector<16xf32>,
    }
    %scan3A_6 = arith.constant 632 : i32
    "tpu.region"() ({
      %run_scoped3A = tpu.sem_alloc : memref<!tpu.dma_semaphore, #tpu.memory_space<semaphore_mem>>
      %dma_start3A = arith.constant 0 : i32
      %dma_start3A_7 = tpu.memref_slice %arg4[%add3A, %dma_start3A] : memref<32x10240xf32, #tpu.memory_space<hbm>> -> memref<1x10240xf32, #tpu.memory_space<hbm>>
      %dma_start3A_8 = tpu.memref_squeeze %dma_start3A_7 : memref<1x10240xf32, #tpu.memory_space<hbm>> -> memref<10240xf32, #tpu.memory_space<hbm>>
      %dma_start3A_9 = arith.constant 0 : i32
      %dma_start3A_10 = tpu.memref_slice %arg4[%add3A, %dma_start3A_9] : memref<32x10240xf32, #tpu.memory_space<hbm>> -> memref<1x10240xf32, #tpu.memory_space<hbm>>
      %dma_start3A_11 = tpu.memref_squeeze %dma_start3A_10 : memref<1x10240xf32, #tpu.memory_space<hbm>> -> memref<10240xf32, #tpu.memory_space<hbm>>
      tpu.enqueue_dma source(%arg6 : memref<10240xf32, #tpu.memory_space<vmem>>) target(%dma_start3A_11 : memref<10240xf32, #tpu.memory_space<hbm>>) target_semaphore(%run_scoped3A : memref<!tpu.dma_semaphore, #tpu.memory_space<semaphore_mem>>)
      %dma_wait3A = arith.constant 0 : i32
      %dma_wait3A_12 = tpu.memref_slice %arg4[%add3A, %dma_wait3A] : memref<32x10240xf32, #tpu.memory_space<hbm>> -> memref<1x10240xf32, #tpu.memory_space<hbm>>
      %dma_wait3A_13 = tpu.memref_squeeze %dma_wait3A_12 : memref<1x10240xf32, #tpu.memory_space<hbm>> -> memref<10240xf32, #tpu.memory_space<hbm>>
      %dma_wait3A_14 = arith.constant 0 : i32
      %dma_wait3A_15 = tpu.memref_slice %arg4[%add3A, %dma_wait3A_14] : memref<32x10240xf32, #tpu.memory_space<hbm>> -> memref<1x10240xf32, #tpu.memory_space<hbm>>
      %dma_wait3A_16 = tpu.memref_squeeze %dma_wait3A_15 : memref<1x10240xf32, #tpu.memory_space<hbm>> -> memref<10240xf32, #tpu.memory_space<hbm>>
      tpu.wait_dma2 semaphore(%run_scoped3A : memref<!tpu.dma_semaphore, #tpu.memory_space<semaphore_mem>>) src(%arg6 : memref<10240xf32, #tpu.memory_space<vmem>>) dst(%dma_wait3A_16 : memref<10240xf32, #tpu.memory_space<hbm>>)
      tpu.yield
    }) : () -> ()
    return
  }
}

</mosaic_0001>

<sc_bundles>
// kernel: _cnt.3.cloned.1.call-start
scs
__scs_entry_jumppad:
0x0: {  	(pc) =	sbr.rel $0x88, $3  }
0x1: {  	(tag) =	ssettag $0x0;
	lr =	simm.s32 $0x1  }
0x2: {  	[smem:$0x3F9F] =	sst lr;
	_ =	strace $0xD0000000  }
0x3: {  	_ = 	snop  }
0x4: {  	_ = 	snop  }
0x5: {  	_ = 	snop  }
0x6: {  	_ = 	snop  }
0x7: {  	_ = 	snop  }
__scs_overlays_trampoline_lowered:
0x8: {  	[smem:$0x3FAE] =	sst s0  }
0x9: {  	[smem:$0x3FAF] =	sst s1  }
0xa: {  	[smem:$0x3FB0] =	sst s2  }
0xb: {  	[smem:$0x3FB1] =	sst s3  }
0xc: {  	[smem:$0x3FB2] =	sst s4  }
0xd: {  	[smem:$0x3FB3] =	sst s5  }
0xe: {  	[smem:$0x3FB4] =	sst s6  }
0xf: {  	[smem:$0x3FB5] =	sst s7  }
0x10: {  	[smem:$0x3FB6] =	sst s8  }
0x11: {  	[smem:$0x3FB7] =	sst s9;
	s0 =	simm.s32 @!p0 $0x0  }
0x12: {  	s1 =	sld [smem:$0x3F9D];
	s0 =	simm.s32 @p0 $0x1  }
0x13: {  	[smem:$0x3FB8] =	sst s0;
	s0 =	simm.s32 @!p1 $0x0  }
0x14: {  	s2 =	sld [smem:$0x3F9C];
	s0 =	simm.s32 @p1 $0x1  }
0x15: {  	[smem:$0x3FB9] =	sst s0;
	s0 =	simm.s32 @!p2 $0x0  }
0x16: {  	s3 =	sld [smem:$0x3FDB];
	s0 =	simm.s32 @p2 $0x1  }
0x17: {  	s4 =	simm.s32 $0x1BF5;
	[smem:$0x3FBB] =	sst s0  }
0x18: {  	s0 =	sld [smem:$0x3F9E];
	_ =	swait.ge [sflag:s4], $0x0  }
0x19: {  	s7 =	sld [smem:$0x3F9F]  }
0x1a: {  	s8 =	sadd.s32 $0xFFFFE003, lr  }
0x1b: {  	s9 =	sadd.s32 $0xFFFFFEF7, lr;
	s5 =	simm.s32 $0xFFFFFFFF;
	p2 =	slt.u32 s8, $0xFFFFF086  }
0x1c: {  	p1 =	slt.u32 s9, $0xF7A;
	s5 =	simm.s32 @!p2 $0x0  }
0x1d: {  	s5 =	simm.s32 @p1 $0x1;
	p0 =	seq.s32 s7, s2  }
0x1e: {  	s7 =	smul.u32 @!p0 $0xF7A, s2;
	p2 =	seq.s32 @!p0 s5, $0x0  }
0x1f: {  	s9 =	smul.u32 $0xF7A, s1;
	s8 =	simm.s32 @!p0 $0x1BF5;
	p2 =	por !p2, p0  }
0x20: {  	[sflag:s8] =	ssyncset.s32 @!p0 $0xFFFFF086;
	s6 =	sadd.s32 @!p0 s3, s7;
	s7 =	simm.s32 @!p0 $0x108  }
0x21: {  	s3 =	sadd.s32 s3, s9;
	s6 =	sadd.s32 @!p0 $0x88, s6;
	s7 =	simm.s32 @p2 $0x1082  }
0x22: {  	[simem:s7], [sflag:s8] =	dma.local @!p0 [hbm:s6], $0xF7A  }
0x23: {  	s9 =	sor.u32 $0xD0000000, s2;
	s6 =	simm.s32 $0x108;
	_ =	swait.ge @!p0 [sflag:s8], $0x0  }
0x24: {  	s3 =	sadd.s32 $0x88, s3;
	s6 =	simm.s32 @!p1 $0x1082;
	[sflag:s4] =	ssyncset.s32 $0xFFFFF086  }
0x25: {  	[simem:s6], [sflag:s4] =	dma.local [hbm:s3], $0xF7A  }
0x26: {  	[smem:$0x3F9F] =	sst s1;
	(tag) =	ssettag s2;
	_ =	strace s9  }
0x27: {  	s1 =	sld [smem:$0x3FAF]  }
0x28: {  	s2 =	sld [smem:$0x3FB0]  }
0x29: {  	s4 =	sld [smem:$0x3FB2]  }
0x2a: {  	p0 =	seq.s32 s5, $0x0;
	s5 =	sld [smem:$0x3FB3]  }
0x2b: {  	s6 =	sld [smem:$0x3FB4]  }
0x2c: {  	s7 =	sld [smem:$0x3FB5]  }
0x2d: {  	s3 =	simm.s32 $0x108;
	s8 =	sld [smem:$0x3FB6]  }
0x2e: {  	s3 =	simm.s32 @!p0 $0x1082;
	s9 =	sld [smem:$0x3FB7]  }
0x2f: {  	lr =	sadd.s32 s0, s3;
	s0 =	sld [smem:$0x3FAE]  }
0x30: {  	s3 =	sld [smem:$0x3FB1]  }
0x31: {  	[smem:$0x3FBA] =	sst s10  }
0x32: {  	s10 =	sld [smem:$0x3FB8];
	_ =	sdelay $0x3  }
0x33: {  	p0 =	seq.s32 s10, $0x1;
	s10 =	sld [smem:$0x3FBA];
	_ =	sdelay $0x3  }
0x34: {  	[smem:$0x3FBA] =	sst s10  }
0x35: {  	s10 =	sld [smem:$0x3FB9];
	_ =	sdelay $0x3  }
0x36: {  	p1 =	seq.s32 s10, $0x1;
	s10 =	sld [smem:$0x3FBA];
	_ =	sdelay $0x3  }
0x37: {  	[smem:$0x3FBA] =	sst s10  }
0x38: {  	s10 =	sld [smem:$0x3FBB]  }
0x39: {  	_ = 	snop;
	(pc) =	sbr.ind lr, $3  }
0x3a: {  	_ = 	snop  }
0x3b: {  	_ = 	snop  }
0x3c: {  	p2 =	seq.s32 s10, $0x1;
	s10 =	sld [smem:$0x3FBA]  }
0x3d: {  	_ =	shalt  }
0x3e: {  	_ =	shalt  }
0x3f: {  	_ =	shalt  }
0x40: {  	_ =	shalt  }
0x41: {  	_ =	shalt  }
0x42: {  	_ =	shalt  }
0x43: {  	_ =	shalt  }
0x44: {  	_ =	shalt  }
0x45: {  	_ =	shalt  }
0x46: {  	_ =	shalt  }
0x47: {  	_ =	shalt  }
0x48: {  	_ =	shalt  }
0x49: {  	_ =	shalt  }
0x4a: {  	_ =	shalt  }
0x4b: {  	_ =	shalt  }
0x4c: {  	_ =	shalt  }
0x4d: {  	_ =	shalt  }
0x4e: {  	_ =	shalt  }
0x4f: {  	_ =	shalt  }
0x50: {  	_ =	shalt  }
0x51: {  	_ =	shalt  }
0x52: {  	_ =	shalt  }
0x53: {  	_ =	shalt  }
0x54: {  	_ =	shalt  }
0x55: {  	_ =	shalt  }
0x56: {  	_ =	shalt  }
0x57: {  	_ =	shalt  }
0x58: {  	_ =	shalt  }
0x59: {  	_ =	shalt  }
0x5a: {  	_ =	shalt  }
0x5b: {  	_ =	shalt  }
0x5c: {  	_ =	shalt  }
0x5d: {  	_ =	shalt  }
0x5e: {  	_ =	shalt  }
0x5f: {  	_ =	shalt  }
0x60: {  	_ =	shalt  }
0x61: {  	_ =	shalt  }
0x62: {  	_ =	shalt  }
0x63: {  	_ =	shalt  }
0x64: {  	_ =	shalt  }
0x65: {  	_ =	shalt  }
0x66: {  	_ =	shalt  }
0x67: {  	_ =	shalt  }
0x68: {  	_ =	shalt  }
0x69: {  	_ =	shalt  }
0x6a: {  	_ =	shalt  }
0x6b: {  	_ =	shalt  }
0x6c: {  	_ =	shalt  }
0x6d: {  	_ =	shalt  }
0x6e: {  	_ =	shalt  }
0x6f: {  	_ =	shalt  }
0x70: {  	_ =	shalt  }
0x71: {  	_ =	shalt  }
0x72: {  	_ =	shalt  }
0x73: {  	_ =	shalt  }
0x74: {  	_ =	shalt  }
0x75: {  	_ =	shalt  }
0x76: {  	_ =	shalt  }
0x77: {  	_ =	shalt  }
0x78: {  	_ =	shalt  }
0x79: {  	_ =	shalt  }
0x7a: {  	_ =	shalt  }
0x7b: {  	_ =	shalt  }
0x7c: {  	_ =	shalt  }
0x7d: {  	_ =	shalt  }
0x7e: {  	_ =	shalt  }
0x7f: {  	_ =	shalt  }
0x80: {  	_ =	shalt  }
0x81: {  	_ =	shalt  }
0x82: {  	_ =	shalt  }
0x83: {  	_ =	shalt  }
0x84: {  	_ =	shalt  }
0x85: {  	_ =	shalt  }
0x86: {  	_ =	shalt  }
0x87: {  	_ =	shalt  }
.Lfunc_end0:
.L_simem_size_0:
called_computation_lowered:
.L_overlay_start_0:
0x88: {  	s2 =	sld [smem:$0x3FD9]  }
0x89: {  	s3 =	sld [smem:$0x3FFE];
	_ =	sdelay $0x1  }
0x8a: {  	s1 =	srdreg.scid  }
0x8b: {  	s0 =	sand.u32 $0x1, s1  }
0x8c: {  	s18 =	sshll.u32 s0, $0xA;
	s2 =	sadd.s32 s3, s2  }
0x8d: {  	s2 =	sadd.s32 s2, s18  }
0x8e: {  	[smem:$0x3FC6] =	sst s2  }
0x8f: {  	_ = 	snop  }
0x90: {  	s2 =	sld [smem:$0x3FC9]  }
0x91: {  	s19 =	sld [smem:$0x3FC8]  }
0x92: {  	s4 =	sld [smem:$0x3FD0];
	(tm) =	ssettm $0x1  }
0x93: {  	s5 =	sld [smem:$0x3FFB];
	_ =	sdelay $0x3  }
0x94: {  	_ =	strace s5  }
0x95: {  	s5 =	sld [smem:$0x3FFC];
	_ =	sdelay $0x3  }
0x96: {  	_ =	strace s5  }
0x97: {  	s5 =	sld [smem:$0x3FFD];
	_ =	sdelay $0x3  }
0x98: {  	_ =	strace s5  }
0x99: {  	_ =	strace $0x8FFFFFFF  }
0x9a: {  	s20 =	sld [smem:$0x3FDB];
	_ =	sdelay $0x1  }
0x9b: {  	s6 =	simm.s32 $_scs_section_size  }
0x9c: {  	s7 =	simm.s32 $_size__tile_overlayer_lowered;
	s8 =	simm.s32 $_tile_overlayer_lowered  }
0x9d: {  	s23 =	simm.s32 $0x1BFF;
	s22 =	sshll.u32 s8, $0x1;
	s5 =	sadd.s32 s6, s20  }
0x9e: {  	s9 =	simm.s32 $0x0;
	s21 =	sshll.u32 s7, $0x1;
	s7 =	sadd.s32 s22, s5  }
0x9f: {  	[timem:s9], [sflag:s23] =	dma.local [hbm:s7], s21  }
0xa0: {  	_ =	swait.ge [sflag:s23], s21  }
0xa1: {  	s6 =	ssub.s32 $0x0, s21;
	[sflag:s23] =	ssyncset.done $0x0  }
0xa2: {  	[sflag:s23] =	ssyncadd.s32 s6;
	_ =	sdelay $0x1  }
0xa3: {  	s24 =	simm.s32 $0x1B8B  }
0xa4: {  	_ =	swait.ge [sflag:s24], $0x1  }
0xa5: {  	[sflag:s24] =	ssyncset.done $0x0  }
0xa6: {  	s25 =	simm.s32 $0x1B8E;
	[sflag:s24] =	ssyncadd.s32 $0xFFFFFFFF  }
0xa7: {  	s26 =	simm.s32 $execute0_lowered;
	[smem:$0x3FD2] =	sst s25  }
0xa8: {  	s6 =	sshll.u32 s26, $0x1;
	_ =	strace $0x80000046;
	[dreg:$0x1] =	wrdreg $0xFFFFFFFF  }
0xa9: {  	s28 =	simm.s32 $_size_execute0_lowered;
	s5 =	sadd.s32 s5, s6;
	[dreg:$0x0] =	wrdreg $0x0  }
0xaa: {  	s6 =	sshll.u32 s28, $0x1;
	[dreg:$0x2] =	wrdreg s5  }
0xab: {  	[dreg:$0x3] =	wrdreg s6  }
0xac: {  	[dreg:$0x4] =	wrdreg $0xC0  }
0xad: {  	_ =	task [dreg:s9], $0x5FFFF  }
0xae: {  	[dreg:$0x1] =	wrdreg $0xFFFFFFFF  }
0xaf: {  	[dreg:$0x0] =	wrdreg $0x60  }
0xb0: {  	[dreg:$0x2] =	wrdreg s2  }
0xb1: {  	[dreg:$0x3] =	wrdreg s19  }
0xb2: {  	[dreg:$0x4] =	wrdreg s4  }
0xb3: {  	[dreg:$0x5] =	wrdreg $0x9  }
0xb4: {  	_ =	task.clear_ibuf [dreg:s9], $0x6FFFF;
	_ =	strace $0x90000046  }
0xb5: {  	s29 =	simm.s32 $0x9;
	_ =	strace $0x80000048  }
0xb6: {  	_ =	swait.ge [sflag:s29], $0x1  }
0xb7: {  	[sflag:s29] =	ssyncadd.s32 $0xFFFFFFFF  }
0xb8: {  	_ =	strace $0x90000048  }
0xb9: {  	_ =	sfence  }
0xba: {  	s30 =	sld [smem:$0x0];
	_ =	sdelay $0x2  }
0xbb: {  	s31 =	sshll.u32 s1, $0xD;
	s1 =	sshrl.u32 s1, $0x2  }
0xbc: {  	s3 =	sand.u32 $0x4000, s31;
	s1 =	sadd.s32 s1, s30  }
0xbd: {  	s0 =	sor.u32 s3, s0;
	s1 =	sshll.u32 s1, $0x11  }
0xbe: {  	s0 =	sor.u32 s1, s0  }
0xbf: {  	s0 =	sadd.s32 $0x8F2B, s0  }
0xc0: {  	[sflag:s0] =	ssyncadd.remote.s32 $0x1  }
0xc1: {  	_ =	sfence.sel $0xFFFF  }
0xc2: {  	[dreg:$0x0] =	wrdreg $0xFFFFFFFF;
	(pc) =	sbr.abs _section_cstart, $3  }
0xc3: {  	[dreg:$0x1] =	wrdreg $0xFFFFFFFF  }
0xc4: {  	_ =	task.clear_ibuf [dreg:s9], $0x2FFFF;
	_ =	strace $0x9FFFFFFF  }
0xc5: {  	(tm) =	ssettm $0x7FFFFFFF  }
tec
execute0_lowered:
.L_overlay_start_1:
0x0: {  	(tag) =	ssettag $0x1  }
0x1: {  	s0 =	srdreg.scid  }
0x2: {  	s5 =	rddreg [dreg:$0x0];
	s4 =	sand.u32 $0x1, s0  }
0x3: {  	s2 =	rddreg [dreg:$0x1];
	s0 =	stileid.u32;
	s1 =	sshll.u32 s4, $0x4  }
0x4: {  	s6 =	rddreg [dreg:$0x2];
	s1 =	sor.u32 s0, s1  }
0x5: {  	s3 =	simm.s32 $0x0;
	s10 =	simm.s32 $0x2780;
	s7 =	sshrl.u32 s1, $0x3  }
0x6: {  	s11 =	simm.s32 $0x0;
	[smem:$0x7FF] =	sst s3;
	s8 =	smul.u32 $0x13C00, s7  }
0x7: {  	s9 =	sshll.u32 s0, $0x7;
	s4 =	ssub.s32 $0x2, s4;
	s7 =	smul.u32 $0x14000, s7  }
0x8: {  	s9 =	sand.u32 $0x380, s9;
	s31 =	sshrl.u32 s4, $0x1;
	s1 =	rddreg [dreg:$0x3]  }
0x9: {  	_ =	strace $0x80000047;
	s8 =	sor.u32 s9, s8;
	s7 =	sor.u32 s9, s7  }
0xa: {  	s9 =	ssub.s32 s4, s31;
	s8 =	sshrl.u32 s8, $0x3;
	s7 =	sshrl.u32 s7, $0x3  }
0xb: {  	s4 =	sadd.s32 s5, s8;
	s5 =	sadd.s32 s6, s7;
	s6 =	smax.u32 s9, $0x1  }
0xc: {  	v0 =	vimm.f32 $1.000000000e+00;
	s7 =	simm.s32 $0x80;
	s8 =	simm.s32 $0x400;
	s9 =	simm.s32 $0x1  }
.LBB2_1:
0xd: {  	[tilespmem:s3], [sflag:$0x1] =	stream.strided.gather [hbm4b:s4+s7], $0x2780, s8, s7, $0x38;
	[tilespmem:$0x4F80] =	vst v63  }
0xe: {  	_ =	swait.ge [sflag:s9], $0x2780  }
0xf: {  	[sflag:s9] =	ssyncset.done $0x0  }
0x10: {  	[sflag:s9] =	ssyncadd.s32 $0xFFFFD880  }
0x11: {  	[tilespmem:s10], [sflag:$0x1] =	stream.linear.gather [hbm4b:s2+s3], $0x2800, $0x38;
	[tilespmem:$0x4F80] =	vst v63  }
0x12: {  	_ =	swait.ge [sflag:s9], $0x2800  }
0x13: {  	[sflag:s9] =	ssyncset.done $0x0  }
0x14: {  	s13 =	simm.s32 $0x0;
	s12 =	simm.s32 $0x40;
	[sflag:s9] =	ssyncadd.s32 $0xFFFFD800  }
.LBB2_2:
0x15: {  	p0 =	sne.s32 s12, $0x9DC0;
	v1 =	vld [tilespmem:s13+$0x0];
	_ =	sdelay $0x3  }
.Ltmp0:
0x16: {  	(pc) =	sbr.rel @p0 .LBB2_2-.Ltmp0, $2  }
0x17: {  	_ =	sdelay $0x2  }
0x18: {  	s13 =	sshra.s32 s12, $0x2;
	s12 =	sadd.s32 $0x40, s12;
	[tilespmem:v1+s10+$0x0] =	vst.idx.add.f32.msk $0xffff, v0  }
0x19: {  	v1 =	vld [tilespmem:s13+$0x0];
	_ =	sdelay $0x5  }
0x1a: {  	s11 =	sadd.s32 $0x1, s11  }
0x1b: {  	p0 =	sne.s32 s11, s6  }
.Ltmp1:
0x1c: {  	[tilespmem:v1+s10+$0x0] =	vst.idx.add.f32.msk $0xffff, v0;
	(pc) =	sbr.rel @p0 .LBB2_1-.Ltmp1, $4  }
0x1d: {  	[hbm4b:s5+s7] =	stream.strided.scatter [tilespmem:s10], [sflag:$0x1], $0x2800, s8, s7, $0x38;
	[tilespmem:$0x4F80] =	vst v63  }
0x1e: {  	_ =	swait.ge [sflag:s9], $0x2800  }
0x1f: {  	[sflag:s9] =	ssyncset.done $0x0  }
0x20: {  	[sflag:s9] =	ssyncadd.s32 $0xFFFFD800  }
0x21: {  	_ =	sfence.sel $0x180000  }
0x22: {  	[bflag:$0x0] =	sbarrier.arrive $0xFFFF  }
0x23: {  	p0 =	sne.s32 s0, $0x0;
	_ =	strace $0x90000047  }
0x24: {  	s0 =	sadd.s32 @!p0 $0x100000, s1;
	[bflag:$0x2] =	sbarrier.arrive $0xFFFF  }
0x25: {  	[sflag:s0] =	ssyncadd.tile.s32 @!p0 $0x1;
	_ =	shalt  }
.Lfunc_end2:
_tile_overlayer_lowered:
.L_overlay_start_2:
0x26: {  	(tag) =	ssettag $0x2  }
0x27: {  	s0 =	rddreg [dreg:$0x0];
	s2 =	stileid.u32  }
0x28: {  	s1 =	rddreg [dreg:$0x1];
	p0 =	sne.s32 s2, $0x0  }
0x29: {  	s3 =	rddreg [dreg:$0x2];
	[bflag:$0x3] =	sbarrier.arrive $0xFFFF;
	s2 =	simm.s32 @!p0 $0x1C01  }
0x2a: {  	[timem:s3], [sflag:s2] =	dma.local @!p0 [hbm:s0], s1  }
0x2b: {  	s0 =	simm.s32 @!p0 $0x1  }
0x2c: {  	_ =	swait.ge @!p0 [sflag:s0], s1  }
0x2d: {  	s1 =	ssub.s32 @!p0 $0x0, s1;
	[sflag:s0] =	ssyncset.done @!p0 $0x0  }
0x2e: {  	[sflag:s0] =	ssyncadd.s32 @!p0 s1  }
0x2f: {  	[bflag:$0x3] =	sbarrier.arrive $0xFFFF  }
0x30: {  	_ =	shalt  }

</sc_bundles>
